<compile_context>
chip_gen: v7x
topology: tpu7x:2x2x1
jax: 0.10.2.dev20260603
libtpu: 0.0.44.dev20260713+nightly
codegen_flags: <defaults>
</compile_context>

<pallas_src>
import functools

import jax
import jax.numpy as jnp
from jax.experimental import pallas as pl

TINY_NUMBER = 1e-6
N_RAY, N_SAMPLE, N_SRC, DIM = 512, 64, 8, 64
H = DIM // 8
NPAIR = N_SRC // 2
PW = 2 * DIM

BLK_T = 256


def _roll64(a):
    return jnp.concatenate([a[:, DIM:], a[:, :DIM]], axis=1)


def _body(q_ref, k_ref, pos_ref, m_ref,
          wq2_ref, wk2_ref, wv2_ref, wp1b_ref, bp1a_ref, wp2c_ref, bp2p_ref,
          wa12_ref, ba1p_ref, wa22_ref, ba2p_ref, wos_ref, bo_ref, esel_ref,
          x_ref, attn_ref, kstd_ref, nkstd_ref):
    T = q_ref.shape[0]
    f32 = jnp.float32
    dot = functools.partial(jnp.dot, preferred_element_type=f32)

    q = q_ref[...]
    kfull = k_ref[...]
    pos = pos_ref[...]
    m = m_ref[...]

    qf = dot(q, wq2_ref[...])

    ph = jnp.maximum(dot(pos, wp1b_ref[...]) + bp1a_ref[...], 0.0)
    posf_all = dot(ph, wp2c_ref[...])

    msel = dot(m, esel_ref[...])
    cnt = msel[:, NPAIR * PW:]
    all_inv = cnt == 0.0
    cnt_eff = jnp.where(all_inv, float(N_SRC), cnt)
    inv_cnt = 1.0 / cnt_eff
    inv_cm1 = 1.0 / jnp.maximum(cnt_eff - 1.0, 1.0)

    kf = [None] * NPAIR
    vf = [None] * NPAIR
    posf = [None] * NPAIR
    w = [None] * NPAIR
    for p in range(NPAIR):
        sl = slice(p * PW, (p + 1) * PW)
        kf[p] = dot(kfull[:, sl], wk2_ref[...])
        vf[p] = dot(kfull[:, sl], wv2_ref[...])
        posf[p] = posf_all[:, sl] + bp2p_ref[...]
        w[p] = jnp.where(all_inv, 1.0, msel[:, sl])

    swk = sum(kf[p] * w[p] for p in range(NPAIR))
    swk = swk + _roll64(swk)
    mean_k = swk * inv_cnt
    svar = sum(((kf[p] - mean_k) ** 2) * w[p] for p in range(NPAIR))
    svar = svar + _roll64(svar)
    sabs = sum(jnp.abs(kf[p]) * w[p] for p in range(NPAIR))
    sabs = sabs + _roll64(sabs)
    var = (svar * inv_cm1)[:, :DIM]
    single = (cnt_eff == 1.0)[:, :DIM]
    std = jnp.sqrt(jnp.where(single, 1.0, jnp.maximum(var, 0.0)))
    mean_abs = (sabs * inv_cnt)[:, :DIM]
    kstd_ref[...] = jnp.where(single, 0.0, std)
    nkstd_ref[...] = jnp.where(single, 0.0, std / (mean_abs + TINY_NUMBER))

    logits = [None] * NPAIR
    for p in range(NPAIR):
        ap = kf[p] - qf + posf[p]
        a1 = jnp.maximum(dot(ap, wa12_ref[...]) + ba1p_ref[...], 0.0)
        logits[p] = dot(a1, wa22_ref[...]) + ba2p_ref[...]

    neg = jnp.float32(-jnp.inf)
    lmax = logits[0]
    lmax = jnp.where(w[0] == 0.0, neg, lmax)
    for p in range(1, NPAIR):
        lmax = jnp.maximum(lmax, jnp.where(w[p] == 0.0, neg, logits[p]))
    lmax = jnp.maximum(lmax, _roll64(lmax))

    e = [None] * NPAIR
    for p in range(NPAIR):
        e[p] = jnp.where(w[p] == 0.0, 0.0, jnp.exp(logits[p] - lmax))
    esum = sum(e)
    esum = esum + _roll64(esum)
    inv_esum = 1.0 / esum

    xacc = jnp.zeros_like(qf)
    for p in range(NPAIR):
        attn_p = e[p] * inv_esum
        attn_ref[:, p * PW:(p + 1) * PW] = attn_p
        xacc = xacc + (vf[p] + posf[p]) * attn_p

    x_ref[...] = dot(xacc, wos_ref[...]) + bo_ref[...]


def kernel(q, k, pos, mask, Wq, Wk, Wv, Wp1, bp1, Wp2, bp2, Wa1, ba1, Wa2, ba2, Wo, bo):
    R, S, N, D = N_RAY, N_SAMPLE, N_SRC, DIM
    RS = R * S
    q2 = q.reshape(RS, D)
    k2 = k.reshape(RS, N * D)
    pos2 = pos.reshape(RS, N * 4)
    m2 = mask.reshape(RS, N).astype(jnp.float32)

    eye2 = jnp.eye(2, dtype=jnp.float32)
    Wq2 = jnp.concatenate([Wq, Wq], axis=1)
    Wk2 = jnp.kron(eye2, Wk)
    Wv2 = jnp.kron(eye2, Wv)
    Wp1b = jnp.kron(jnp.eye(N, dtype=jnp.float32), Wp1)
    bp1a = jnp.tile(bp1, N).reshape(1, N * H)
    W2c = jnp.zeros((N * H, N * D), jnp.float32)
    for n in range(N):
        W2c = W2c.at[n * H:(n + 1) * H, n * D:(n + 1) * D].set(Wp2)
    bp2p = jnp.tile(bp2, 2).reshape(1, PW)
    Wa12 = jnp.kron(eye2, Wa1)
    ba1p = jnp.tile(ba1, 2).reshape(1, 2 * H)
    Wa22 = jnp.kron(eye2, Wa2)
    ba2p = jnp.tile(ba2, 2).reshape(1, PW)
    Wos = jnp.concatenate([Wo, Wo], axis=0)
    bor = bo.reshape(1, D)
    Es = jnp.zeros((N, (NPAIR + 1) * PW), jnp.float32)
    for n in range(N):
        p, half = n // 2, n % 2
        Es = Es.at[n, p * PW + half * D:p * PW + (half + 1) * D].set(1.0)
    Es = Es.at[:, NPAIR * PW:].set(1.0)

    grid = (RS // BLK_T,)
    tok = lambda i: (i, 0)
    rep = lambda i: (0, 0)

    def wspec(w):
        return pl.BlockSpec(w.shape, rep)

    out = pl.pallas_call(
        _body,
        grid=grid,
        in_specs=[
            pl.BlockSpec((BLK_T, D), tok),
            pl.BlockSpec((BLK_T, N * D), tok),
            pl.BlockSpec((BLK_T, N * 4), tok),
            pl.BlockSpec((BLK_T, N), tok),
            wspec(Wq2), wspec(Wk2), wspec(Wv2),
            wspec(Wp1b), wspec(bp1a), wspec(W2c), wspec(bp2p),
            wspec(Wa12), wspec(ba1p), wspec(Wa22), wspec(ba2p),
            wspec(Wos), wspec(bor), wspec(Es),
        ],
        out_specs=[
            pl.BlockSpec((BLK_T, D), tok),
            pl.BlockSpec((BLK_T, N * D), tok),
            pl.BlockSpec((BLK_T, D), tok),
            pl.BlockSpec((BLK_T, D), tok),
        ],
        out_shape=[
            jax.ShapeDtypeStruct((RS, D), jnp.float32),
            jax.ShapeDtypeStruct((RS, N * D), jnp.float32),
            jax.ShapeDtypeStruct((RS, D), jnp.float32),
            jax.ShapeDtypeStruct((RS, D), jnp.float32),
        ],
    )(q2, k2, pos2, m2, Wq2, Wk2, Wv2, Wp1b, bp1a, W2c, bp2p,
      Wa12, ba1p, Wa22, ba2p, Wos, bor, Es)

    x, attn, kstd, nkstd = out
    return (x.reshape(R, S, D), attn.reshape(R, S, N, D),
            kstd.reshape(R, S, D), nkstd.reshape(R, S, D))

# --- scband reference (transcript-rebuilt; emitter-appended) ---
"""Pipeline reference for scband-attention2-d-70660801954139 (READ-ONLY COPY).

The authoritative reference and input builder live on the scoring server;
editing this copy changes nothing except your own understanding.
"""

import jax, jax.numpy as jnp
import numpy as np

TINY_NUMBER = 1e-6
N_RAY, N_SAMPLE, N_SRC, DIM = 512, 64, 8, 64


def _lin(k_, fan_in, fan_out):
    b = 1.0 / np.sqrt(fan_in)
    return jax.random.uniform(k_, (fan_in, fan_out), minval=-b, maxval=b, dtype=jnp.float32)


def setup_inputs(seed: int = 0):
    key = jax.random.key(seed)
    ks = jax.random.split(key, 20)
    h = DIM // 8
    inp = {}
    inp["q"] = jax.random.normal(ks[0], (N_RAY, N_SAMPLE, DIM), dtype=jnp.float32)
    inp["k"] = jax.random.normal(ks[1], (N_RAY, N_SAMPLE, N_SRC, DIM), dtype=jnp.float32)
    inp["pos"] = jax.random.normal(ks[2], (N_RAY, N_SAMPLE, N_SRC, 4), dtype=jnp.float32)
    inp["mask"] = jax.random.randint(ks[3], (N_RAY, N_SAMPLE, N_SRC, 1), 0, 2).astype(jnp.bool_)
    inp["Wq"] = _lin(ks[4], DIM, DIM)
    inp["Wk"] = _lin(ks[5], DIM, DIM)
    inp["Wv"] = _lin(ks[6], DIM, DIM)
    inp["Wp1"] = _lin(ks[7], 4, h)
    inp["bp1"] = jnp.zeros((h,), jnp.float32)
    inp["Wp2"] = _lin(ks[8], h, DIM)
    inp["bp2"] = jnp.zeros((DIM,), jnp.float32)
    inp["Wa1"] = _lin(ks[9], DIM, h)
    inp["ba1"] = jnp.zeros((h,), jnp.float32)
    inp["Wa2"] = _lin(ks[10], h, DIM)
    inp["ba2"] = jnp.zeros((DIM,), jnp.float32)
    inp["Wo"] = _lin(ks[11], DIM, DIM)
    inp["bo"] = jnp.zeros((DIM,), jnp.float32)
    return inp


def reference(q, k, pos, mask, Wq, Wk, Wv, Wp1, bp1, Wp2, bp2, Wa1, ba1, Wa2, ba2, Wo, bo):
    # Linear projections (bias=False for q/k/v)
    qf = q @ Wq
    kf = k @ Wk
    vf = k @ Wv
    # --- ragged per-(ray,sample) masked statistics over valid source views ---
    valid = mask[..., 0].astype(jnp.float32)          # [R,S,N]
    cnt = valid.sum(-1)                                # [R,S]
    all_invalid = cnt == 0.0
    # torch code resets rows with zero valid views to fully valid
    valid_eff = jnp.where(all_invalid[..., None], 1.0, valid)
    cnt_eff = valid_eff.sum(-1)
    w = valid_eff[..., None]                           # [R,S,N,1]
    mean_k = (kf * w).sum(2) / cnt_eff[..., None]
    var = (((kf - mean_k[:, :, None, :]) ** 2) * w).sum(2) / jnp.maximum(cnt_eff[..., None] - 1.0, 1.0)
    single = (cnt_eff == 1.0)[..., None]
    var_safe = jnp.where(single, 1.0, jnp.maximum(var, 0.0))
    std = jnp.sqrt(var_safe)
    mean_abs = (jnp.abs(kf) * w).sum(2) / cnt_eff[..., None]
    k_std = jnp.where(single, 0.0, std)
    normalized_k_std = jnp.where(single, 0.0, std / (mean_abs + TINY_NUMBER))
    # --- positional encoding + additive attention ---
    posf = jax.nn.relu(pos @ Wp1 + bp1) @ Wp2 + bp2
    attn = kf - qf[:, :, None, :] + posf
    attn = jax.nn.relu(attn @ Wa1 + ba1) @ Wa2 + ba2
    attn = jnp.where(w == 0.0, -jnp.inf, attn)
    attn = jax.nn.softmax(attn, axis=-2)
    # rows that were fully invalid were reset to all-valid above, so the
    # torch uniform-dist overwrite is a no-op (mask_invalid_cnt became 0)
    # dropout is identity in eval mode
    x = ((vf + posf) * attn).sum(axis=2)
    x = x @ Wo + bo
    return (x, attn, k_std, normalized_k_std)

if __name__ == "__main__":
    import jax
    _d = setup_inputs()
    print(jax.jit(kernel)(*tuple(_d.values())))

</pallas_src>

<mosaic_0001>
module attributes {stable_mosaic.version = 14 : i64} {
  func.func @_body(%arg0: i32, %arg1: memref<256x64xf32, #tpu.memory_space<vmem>>, %arg2: memref<256x512xf32, #tpu.memory_space<vmem>>, %arg3: memref<256x32xf32, #tpu.memory_space<vmem>>, %arg4: memref<256x8xf32, #tpu.memory_space<vmem>>, %arg5: memref<64x128xf32, #tpu.memory_space<vmem>>, %arg6: memref<128x128xf32, #tpu.memory_space<vmem>>, %arg7: memref<128x128xf32, #tpu.memory_space<vmem>>, %arg8: memref<32x64xf32, #tpu.memory_space<vmem>>, %arg9: memref<1x64xf32, #tpu.memory_space<vmem>>, %arg10: memref<64x512xf32, #tpu.memory_space<vmem>>, %arg11: memref<1x128xf32, #tpu.memory_space<vmem>>, %arg12: memref<128x16xf32, #tpu.memory_space<vmem>>, %arg13: memref<1x16xf32, #tpu.memory_space<vmem>>, %arg14: memref<16x128xf32, #tpu.memory_space<vmem>>, %arg15: memref<1x128xf32, #tpu.memory_space<vmem>>, %arg16: memref<128x64xf32, #tpu.memory_space<vmem>>, %arg17: memref<1x64xf32, #tpu.memory_space<vmem>>, %arg18: memref<8x640xf32, #tpu.memory_space<vmem>>, %arg19: memref<256x64xf32, #tpu.memory_space<vmem>>, %arg20: memref<256x512xf32, #tpu.memory_space<vmem>>, %arg21: memref<256x64xf32, #tpu.memory_space<vmem>>, %arg22: memref<256x64xf32, #tpu.memory_space<vmem>>) attributes {dimension_semantics = [#tpu.dimension_semantics<arbitrary>], iteration_bounds = array<i64: 128>, scalar_prefetch = 0 : i64, scratch_operands = 0 : i64, tpu.core_type = #tpu.core_type<tc>, window_params = [{transform_indices = @transform_0, window_bounds = array<i64: 256, 64>}, {transform_indices = @transform_1, window_bounds = array<i64: 256, 512>}, {transform_indices = @transform_2, window_bounds = array<i64: 256, 32>}, {transform_indices = @transform_3, window_bounds = array<i64: 256, 8>}, {pipeline_mode = #tpu.pipeline_mode<synchronous>, transform_indices = @transform_4, window_bounds = array<i64: 64, 128>}, {pipeline_mode = #tpu.pipeline_mode<synchronous>, transform_indices = @transform_5, window_bounds = array<i64: 128, 128>}, {pipeline_mode = #tpu.pipeline_mode<synchronous>, transform_indices = @transform_6, window_bounds = array<i64: 128, 128>}, {pipeline_mode = #tpu.pipeline_mode<synchronous>, transform_indices = @transform_7, window_bounds = array<i64: 32, 64>}, {pipeline_mode = #tpu.pipeline_mode<synchronous>, transform_indices = @transform_8, window_bounds = array<i64: 1, 64>}, {pipeline_mode = #tpu.pipeline_mode<synchronous>, transform_indices = @transform_9, window_bounds = array<i64: 64, 512>}, {pipeline_mode = #tpu.pipeline_mode<synchronous>, transform_indices = @transform_10, window_bounds = array<i64: 1, 128>}, {pipeline_mode = #tpu.pipeline_mode<synchronous>, transform_indices = @transform_11, window_bounds = array<i64: 128, 16>}, {pipeline_mode = #tpu.pipeline_mode<synchronous>, transform_indices = @transform_12, window_bounds = array<i64: 1, 16>}, {pipeline_mode = #tpu.pipeline_mode<synchronous>, transform_indices = @transform_13, window_bounds = array<i64: 16, 128>}, {pipeline_mode = #tpu.pipeline_mode<synchronous>, transform_indices = @transform_14, window_bounds = array<i64: 1, 128>}, {pipeline_mode = #tpu.pipeline_mode<synchronous>, transform_indices = @transform_15, window_bounds = array<i64: 128, 64>}, {pipeline_mode = #tpu.pipeline_mode<synchronous>, transform_indices = @transform_16, window_bounds = array<i64: 1, 64>}, {pipeline_mode = #tpu.pipeline_mode<synchronous>, transform_indices = @transform_17, window_bounds = array<i64: 8, 640>}, {transform_indices = @transform_18, window_bounds = array<i64: 256, 64>}, {transform_indices = @transform_19, window_bounds = array<i64: 256, 512>}, {transform_indices = @transform_20, window_bounds = array<i64: 256, 64>}, {transform_indices = @transform_21, window_bounds = array<i64: 256, 64>}]} {
    %get3A = arith.constant 0 : index
    %get3A_0 = arith.constant 0 : index
    %get3A_1 = vector.load %arg1[%get3A, %get3A_0] : memref<256x64xf32, #tpu.memory_space<vmem>>, vector<256x64xf32>
    %get3A_2 = arith.constant 0 : index
    %get3A_3 = arith.constant 0 : index
    %get3A_4 = vector.load %arg2[%get3A_2, %get3A_3] : memref<256x512xf32, #tpu.memory_space<vmem>>, vector<256x512xf32>
    %get3A_5 = arith.constant 0 : index
    %get3A_6 = arith.constant 0 : index
    %get3A_7 = vector.load %arg3[%get3A_5, %get3A_6] : memref<256x32xf32, #tpu.memory_space<vmem>>, vector<256x32xf32>
    %get3A_8 = arith.constant 0 : index
    %get3A_9 = arith.constant 0 : index
    %get3A_10 = vector.load %arg4[%get3A_8, %get3A_9] : memref<256x8xf32, #tpu.memory_space<vmem>>, vector<256x8xf32>
    %get3A_11 = arith.constant 0 : index
    %get3A_12 = arith.constant 0 : index
    %get3A_13 = vector.load %arg5[%get3A_11, %get3A_12] : memref<64x128xf32, #tpu.memory_space<vmem>>, vector<64x128xf32>
    %dot_general3A = arith.constant dense<0.000000e+00> : vector<256x128xf32>
    %dot_general3A_14 = tpu.matmul %get3A_1, %get3A_13, %dot_general3A {dimension_numbers = #tpu.dot_dimension_numbers<[1], [0], [0], [1], [0, 0, 1, 1], [], []>, transpose_lhs_hint = false} : vector<256x64xf32>, vector<64x128xf32>, vector<256x128xf32> -> vector<256x128xf32>
    %get3A_15 = arith.constant 0 : index
    %get3A_16 = arith.constant 0 : index
    %get3A_17 = vector.load %arg8[%get3A_15, %get3A_16] : memref<32x64xf32, #tpu.memory_space<vmem>>, vector<32x64xf32>
    %dot_general3A_18 = arith.constant dense<0.000000e+00> : vector<256x64xf32>
    %dot_general3A_19 = tpu.matmul %get3A_7, %get3A_17, %dot_general3A_18 {dimension_numbers = #tpu.dot_dimension_numbers<[1], [0], [0], [1], [0, 0, 1, 1], [], []>, transpose_lhs_hint = false} : vector<256x32xf32>, vector<32x64xf32>, vector<256x64xf32> -> vector<256x64xf32>
    %get3A_20 = arith.constant 0 : index
    %get3A_21 = arith.constant 0 : index
    %get3A_22 = vector.load %arg9[%get3A_20, %get3A_21] : memref<1x64xf32, #tpu.memory_space<vmem>>, vector<1x64xf32>
    %add3A = vector.broadcast %get3A_22 : vector<1x64xf32> to vector<256x64xf32>
    %add3A_23 = arith.addf %dot_general3A_19, %add3A : vector<256x64xf32>
    %max3A = arith.constant 0.000000e+00 : f32
    %max3A_24 = vector.broadcast %max3A : f32 to vector<256x64xf32>
    %max3A_25 = arith.maximumf %add3A_23, %max3A_24 : vector<256x64xf32>
    %get3A_26 = arith.constant 0 : index
    %get3A_27 = arith.constant 0 : index
    %get3A_28 = vector.load %arg10[%get3A_26, %get3A_27] : memref<64x512xf32, #tpu.memory_space<vmem>>, vector<64x512xf32>
    %dot_general3A_29 = arith.constant dense<0.000000e+00> : vector<256x512xf32>
    %dot_general3A_30 = tpu.matmul %max3A_25, %get3A_28, %dot_general3A_29 {dimension_numbers = #tpu.dot_dimension_numbers<[1], [0], [0], [1], [0, 0, 1, 1], [], []>, transpose_lhs_hint = false} : vector<256x64xf32>, vector<64x512xf32>, vector<256x512xf32> -> vector<256x512xf32>
    %get3A_31 = arith.constant 0 : index
    %get3A_32 = arith.constant 0 : index
    %get3A_33 = vector.load %arg18[%get3A_31, %get3A_32] : memref<8x640xf32, #tpu.memory_space<vmem>>, vector<8x640xf32>
    %dot_general3A_34 = arith.constant dense<0.000000e+00> : vector<256x640xf32>
    %dot_general3A_35 = tpu.matmul %get3A_10, %get3A_33, %dot_general3A_34 {dimension_numbers = #tpu.dot_dimension_numbers<[1], [0], [0], [1], [0, 0, 1, 1], [], []>, transpose_lhs_hint = false} : vector<256x8xf32>, vector<8x640xf32>, vector<256x640xf32> -> vector<256x640xf32>
    %slice3A = vector.extract_strided_slice %dot_general3A_35 {offsets = [0, 512], sizes = [256, 128], strides = [1, 1]} : vector<256x640xf32> to vector<256x128xf32>
    %eq3A = arith.constant 0.000000e+00 : f32
    %eq3A_36 = vector.broadcast %eq3A : f32 to vector<256x128xf32>
    %eq3A_37 = arith.cmpf oeq, %slice3A, %eq3A_36 : vector<256x128xf32>
    %jit3A = arith.constant 8.000000e+00 : f32
    %broadcast_in_dim3A = vector.broadcast %jit3A : f32 to vector<256x128xf32>
    %select_n3A = arith.select %eq3A_37, %broadcast_in_dim3A, %slice3A : vector<256x128xi1>, vector<256x128xf32>
    %div3A = arith.constant 1.000000e+00 : f32
    %div3A_38 = vector.broadcast %div3A : f32 to vector<256x128xf32>
    %div3A_39 = arith.divf %div3A_38, %select_n3A : vector<256x128xf32>
    %sub3A = arith.constant 1.000000e+00 : f32
    %sub3A_40 = vector.broadcast %sub3A : f32 to vector<256x128xf32>
    %sub3A_41 = arith.subf %select_n3A, %sub3A_40 : vector<256x128xf32>
    %max3A_42 = arith.constant 1.000000e+00 : f32
    %max3A_43 = vector.broadcast %max3A_42 : f32 to vector<256x128xf32>
    %max3A_44 = arith.maximumf %sub3A_41, %max3A_43 : vector<256x128xf32>
    %div3A_45 = arith.constant 1.000000e+00 : f32
    %div3A_46 = vector.broadcast %div3A_45 : f32 to vector<256x128xf32>
    %div3A_47 = arith.divf %div3A_46, %max3A_44 : vector<256x128xf32>
    %slice3A_48 = vector.extract_strided_slice %get3A_4 {offsets = [0, 0], sizes = [256, 128], strides = [1, 1]} : vector<256x512xf32> to vector<256x128xf32>
    %get3A_49 = arith.constant 0 : index
    %get3A_50 = arith.constant 0 : index
    %get3A_51 = vector.load %arg6[%get3A_49, %get3A_50] : memref<128x128xf32, #tpu.memory_space<vmem>>, vector<128x128xf32>
    %dot_general3A_52 = arith.constant dense<0.000000e+00> : vector<256x128xf32>
    %dot_general3A_53 = tpu.matmul %slice3A_48, %get3A_51, %dot_general3A_52 {dimension_numbers = #tpu.dot_dimension_numbers<[1], [0], [0], [1], [0, 0, 1, 1], [], []>, transpose_lhs_hint = false} : vector<256x128xf32>, vector<128x128xf32>, vector<256x128xf32> -> vector<256x128xf32>
    %slice3A_54 = vector.extract_strided_slice %get3A_4 {offsets = [0, 0], sizes = [256, 128], strides = [1, 1]} : vector<256x512xf32> to vector<256x128xf32>
    %get3A_55 = arith.constant 0 : index
    %get3A_56 = arith.constant 0 : index
    %get3A_57 = vector.load %arg7[%get3A_55, %get3A_56] : memref<128x128xf32, #tpu.memory_space<vmem>>, vector<128x128xf32>
    %dot_general3A_58 = arith.constant dense<0.000000e+00> : vector<256x128xf32>
    %dot_general3A_59 = tpu.matmul %slice3A_54, %get3A_57, %dot_general3A_58 {dimension_numbers = #tpu.dot_dimension_numbers<[1], [0], [0], [1], [0, 0, 1, 1], [], []>, transpose_lhs_hint = false} : vector<256x128xf32>, vector<128x128xf32>, vector<256x128xf32> -> vector<256x128xf32>
    %slice3A_60 = vector.extract_strided_slice %dot_general3A_30 {offsets = [0, 0], sizes = [256, 128], strides = [1, 1]} : vector<256x512xf32> to vector<256x128xf32>
    %get3A_61 = arith.constant 0 : index
    %get3A_62 = arith.constant 0 : index
    %get3A_63 = vector.load %arg11[%get3A_61, %get3A_62] : memref<1x128xf32, #tpu.memory_space<vmem>>, vector<1x128xf32>
    %add3A_64 = vector.broadcast %get3A_63 : vector<1x128xf32> to vector<256x128xf32>
    %add3A_65 = arith.addf %slice3A_60, %add3A_64 : vector<256x128xf32>
    %slice3A_66 = vector.extract_strided_slice %dot_general3A_35 {offsets = [0, 0], sizes = [256, 128], strides = [1, 1]} : vector<256x640xf32> to vector<256x128xf32>
    %jit3A_67 = arith.constant 1.000000e+00 : f32
    %broadcast_in_dim3A_68 = vector.broadcast %jit3A_67 : f32 to vector<256x128xf32>
    %select_n3A_69 = arith.select %eq3A_37, %broadcast_in_dim3A_68, %slice3A_66 : vector<256x128xi1>, vector<256x128xf32>
    %slice3A_70 = vector.extract_strided_slice %get3A_4 {offsets = [0, 128], sizes = [256, 128], strides = [1, 1]} : vector<256x512xf32> to vector<256x128xf32>
    %get3A_71 = arith.constant 0 : index
    %get3A_72 = arith.constant 0 : index
    %get3A_73 = vector.load %arg6[%get3A_71, %get3A_72] : memref<128x128xf32, #tpu.memory_space<vmem>>, vector<128x128xf32>
    %dot_general3A_74 = arith.constant dense<0.000000e+00> : vector<256x128xf32>
    %dot_general3A_75 = tpu.matmul %slice3A_70, %get3A_73, %dot_general3A_74 {dimension_numbers = #tpu.dot_dimension_numbers<[1], [0], [0], [1], [0, 0, 1, 1], [], []>, transpose_lhs_hint = false} : vector<256x128xf32>, vector<128x128xf32>, vector<256x128xf32> -> vector<256x128xf32>
    %slice3A_76 = vector.extract_strided_slice %get3A_4 {offsets = [0, 128], sizes = [256, 128], strides = [1, 1]} : vector<256x512xf32> to vector<256x128xf32>
    %get3A_77 = arith.constant 0 : index
    %get3A_78 = arith.constant 0 : index
    %get3A_79 = vector.load %arg7[%get3A_77, %get3A_78] : memref<128x128xf32, #tpu.memory_space<vmem>>, vector<128x128xf32>
    %dot_general3A_80 = arith.constant dense<0.000000e+00> : vector<256x128xf32>
    %dot_general3A_81 = tpu.matmul %slice3A_76, %get3A_79, %dot_general3A_80 {dimension_numbers = #tpu.dot_dimension_numbers<[1], [0], [0], [1], [0, 0, 1, 1], [], []>, transpose_lhs_hint = false} : vector<256x128xf32>, vector<128x128xf32>, vector<256x128xf32> -> vector<256x128xf32>
    %slice3A_82 = vector.extract_strided_slice %dot_general3A_30 {offsets = [0, 128], sizes = [256, 128], strides = [1, 1]} : vector<256x512xf32> to vector<256x128xf32>
    %get3A_83 = arith.constant 0 : index
    %get3A_84 = arith.constant 0 : index
    %get3A_85 = vector.load %arg11[%get3A_83, %get3A_84] : memref<1x128xf32, #tpu.memory_space<vmem>>, vector<1x128xf32>
    %add3A_86 = vector.broadcast %get3A_85 : vector<1x128xf32> to vector<256x128xf32>
    %add3A_87 = arith.addf %slice3A_82, %add3A_86 : vector<256x128xf32>
    %slice3A_88 = vector.extract_strided_slice %dot_general3A_35 {offsets = [0, 128], sizes = [256, 128], strides = [1, 1]} : vector<256x640xf32> to vector<256x128xf32>
    %jit3A_89 = arith.constant 1.000000e+00 : f32
    %broadcast_in_dim3A_90 = vector.broadcast %jit3A_89 : f32 to vector<256x128xf32>
    %select_n3A_91 = arith.select %eq3A_37, %broadcast_in_dim3A_90, %slice3A_88 : vector<256x128xi1>, vector<256x128xf32>
    %slice3A_92 = vector.extract_strided_slice %get3A_4 {offsets = [0, 256], sizes = [256, 128], strides = [1, 1]} : vector<256x512xf32> to vector<256x128xf32>
    %get3A_93 = arith.constant 0 : index
    %get3A_94 = arith.constant 0 : index
    %get3A_95 = vector.load %arg6[%get3A_93, %get3A_94] : memref<128x128xf32, #tpu.memory_space<vmem>>, vector<128x128xf32>
    %dot_general3A_96 = arith.constant dense<0.000000e+00> : vector<256x128xf32>
    %dot_general3A_97 = tpu.matmul %slice3A_92, %get3A_95, %dot_general3A_96 {dimension_numbers = #tpu.dot_dimension_numbers<[1], [0], [0], [1], [0, 0, 1, 1], [], []>, transpose_lhs_hint = false} : vector<256x128xf32>, vector<128x128xf32>, vector<256x128xf32> -> vector<256x128xf32>
    %slice3A_98 = vector.extract_strided_slice %get3A_4 {offsets = [0, 256], sizes = [256, 128], strides = [1, 1]} : vector<256x512xf32> to vector<256x128xf32>
    %get3A_99 = arith.constant 0 : index
    %get3A_100 = arith.constant 0 : index
    %get3A_101 = vector.load %arg7[%get3A_99, %get3A_100] : memref<128x128xf32, #tpu.memory_space<vmem>>, vector<128x128xf32>
    %dot_general3A_102 = arith.constant dense<0.000000e+00> : vector<256x128xf32>
    %dot_general3A_103 = tpu.matmul %slice3A_98, %get3A_101, %dot_general3A_102 {dimension_numbers = #tpu.dot_dimension_numbers<[1], [0], [0], [1], [0, 0, 1, 1], [], []>, transpose_lhs_hint = false} : vector<256x128xf32>, vector<128x128xf32>, vector<256x128xf32> -> vector<256x128xf32>
    %slice3A_104 = vector.extract_strided_slice %dot_general3A_30 {offsets = [0, 256], sizes = [256, 128], strides = [1, 1]} : vector<256x512xf32> to vector<256x128xf32>
    %get3A_105 = arith.constant 0 : index
    %get3A_106 = arith.constant 0 : index
    %get3A_107 = vector.load %arg11[%get3A_105, %get3A_106] : memref<1x128xf32, #tpu.memory_space<vmem>>, vector<1x128xf32>
    %add3A_108 = vector.broadcast %get3A_107 : vector<1x128xf32> to vector<256x128xf32>
    %add3A_109 = arith.addf %slice3A_104, %add3A_108 : vector<256x128xf32>
    %slice3A_110 = vector.extract_strided_slice %dot_general3A_35 {offsets = [0, 256], sizes = [256, 128], strides = [1, 1]} : vector<256x640xf32> to vector<256x128xf32>
    %jit3A_111 = arith.constant 1.000000e+00 : f32
    %broadcast_in_dim3A_112 = vector.broadcast %jit3A_111 : f32 to vector<256x128xf32>
    %select_n3A_113 = arith.select %eq3A_37, %broadcast_in_dim3A_112, %slice3A_110 : vector<256x128xi1>, vector<256x128xf32>
    %slice3A_114 = vector.extract_strided_slice %get3A_4 {offsets = [0, 384], sizes = [256, 128], strides = [1, 1]} : vector<256x512xf32> to vector<256x128xf32>
    %get3A_115 = arith.constant 0 : index
    %get3A_116 = arith.constant 0 : index
    %get3A_117 = vector.load %arg6[%get3A_115, %get3A_116] : memref<128x128xf32, #tpu.memory_space<vmem>>, vector<128x128xf32>
    %dot_general3A_118 = arith.constant dense<0.000000e+00> : vector<256x128xf32>
    %dot_general3A_119 = tpu.matmul %slice3A_114, %get3A_117, %dot_general3A_118 {dimension_numbers = #tpu.dot_dimension_numbers<[1], [0], [0], [1], [0, 0, 1, 1], [], []>, transpose_lhs_hint = false} : vector<256x128xf32>, vector<128x128xf32>, vector<256x128xf32> -> vector<256x128xf32>
    %slice3A_120 = vector.extract_strided_slice %get3A_4 {offsets = [0, 384], sizes = [256, 128], strides = [1, 1]} : vector<256x512xf32> to vector<256x128xf32>
    %get3A_121 = arith.constant 0 : index
    %get3A_122 = arith.constant 0 : index
    %get3A_123 = vector.load %arg7[%get3A_121, %get3A_122] : memref<128x128xf32, #tpu.memory_space<vmem>>, vector<128x128xf32>
    %dot_general3A_124 = arith.constant dense<0.000000e+00> : vector<256x128xf32>
    %dot_general3A_125 = tpu.matmul %slice3A_120, %get3A_123, %dot_general3A_124 {dimension_numbers = #tpu.dot_dimension_numbers<[1], [0], [0], [1], [0, 0, 1, 1], [], []>, transpose_lhs_hint = false} : vector<256x128xf32>, vector<128x128xf32>, vector<256x128xf32> -> vector<256x128xf32>
    %slice3A_126 = vector.extract_strided_slice %dot_general3A_30 {offsets = [0, 384], sizes = [256, 128], strides = [1, 1]} : vector<256x512xf32> to vector<256x128xf32>
    %get3A_127 = arith.constant 0 : index
    %get3A_128 = arith.constant 0 : index
    %get3A_129 = vector.load %arg11[%get3A_127, %get3A_128] : memref<1x128xf32, #tpu.memory_space<vmem>>, vector<1x128xf32>
    %add3A_130 = vector.broadcast %get3A_129 : vector<1x128xf32> to vector<256x128xf32>
    %add3A_131 = arith.addf %slice3A_126, %add3A_130 : vector<256x128xf32>
    %slice3A_132 = vector.extract_strided_slice %dot_general3A_35 {offsets = [0, 384], sizes = [256, 128], strides = [1, 1]} : vector<256x640xf32> to vector<256x128xf32>
    %jit3A_133 = arith.constant 1.000000e+00 : f32
    %broadcast_in_dim3A_134 = vector.broadcast %jit3A_133 : f32 to vector<256x128xf32>
    %select_n3A_135 = arith.select %eq3A_37, %broadcast_in_dim3A_134, %slice3A_132 : vector<256x128xi1>, vector<256x128xf32>
    %mul3A = arith.mulf %dot_general3A_53, %select_n3A_69 : vector<256x128xf32>
    %add3A_136 = arith.constant 0.000000e+00 : f32
    %add3A_137 = vector.broadcast %add3A_136 : f32 to vector<256x128xf32>
    %add3A_138 = arith.addf %add3A_137, %mul3A : vector<256x128xf32>
    %mul3A_139 = arith.mulf %dot_general3A_75, %select_n3A_91 : vector<256x128xf32>
    %add3A_140 = arith.addf %add3A_138, %mul3A_139 : vector<256x128xf32>
    %mul3A_141 = arith.mulf %dot_general3A_97, %select_n3A_113 : vector<256x128xf32>
    %add3A_142 = arith.addf %add3A_140, %mul3A_141 : vector<256x128xf32>
    %mul3A_143 = arith.mulf %dot_general3A_119, %select_n3A_135 : vector<256x128xf32>
    %add3A_144 = arith.addf %add3A_142, %mul3A_143 : vector<256x128xf32>
    %slice3A_145 = vector.extract_strided_slice %add3A_144 {offsets = [0, 64], sizes = [256, 64], strides = [1, 1]} : vector<256x128xf32> to vector<256x64xf32>
    %slice3A_146 = vector.extract_strided_slice %add3A_144 {offsets = [0, 0], sizes = [256, 64], strides = [1, 1]} : vector<256x128xf32> to vector<256x64xf32>
    %concatenate3A = tpu.concatenate %slice3A_145, %slice3A_146 in 1 : vector<256x64xf32>, vector<256x64xf32> -> vector<256x128xf32>
    %add3A_147 = arith.addf %add3A_144, %concatenate3A : vector<256x128xf32>
    %mul3A_148 = arith.mulf %add3A_147, %div3A_39 : vector<256x128xf32>
    %sub3A_149 = arith.subf %dot_general3A_53, %mul3A_148 : vector<256x128xf32>
    %integer_pow3A = arith.mulf %sub3A_149, %sub3A_149 : vector<256x128xf32>
    %mul3A_150 = arith.mulf %integer_pow3A, %select_n3A_69 : vector<256x128xf32>
    %add3A_151 = arith.constant 0.000000e+00 : f32
    %add3A_152 = vector.broadcast %add3A_151 : f32 to vector<256x128xf32>
    %add3A_153 = arith.addf %add3A_152, %mul3A_150 : vector<256x128xf32>
    %sub3A_154 = arith.subf %dot_general3A_75, %mul3A_148 : vector<256x128xf32>
    %integer_pow3A_155 = arith.mulf %sub3A_154, %sub3A_154 : vector<256x128xf32>
    %mul3A_156 = arith.mulf %integer_pow3A_155, %select_n3A_91 : vector<256x128xf32>
    %add3A_157 = arith.addf %add3A_153, %mul3A_156 : vector<256x128xf32>
    %sub3A_158 = arith.subf %dot_general3A_97, %mul3A_148 : vector<256x128xf32>
    %integer_pow3A_159 = arith.mulf %sub3A_158, %sub3A_158 : vector<256x128xf32>
    %mul3A_160 = arith.mulf %integer_pow3A_159, %select_n3A_113 : vector<256x128xf32>
    %add3A_161 = arith.addf %add3A_157, %mul3A_160 : vector<256x128xf32>
    %sub3A_162 = arith.subf %dot_general3A_119, %mul3A_148 : vector<256x128xf32>
    %integer_pow3A_163 = arith.mulf %sub3A_162, %sub3A_162 : vector<256x128xf32>
    %mul3A_164 = arith.mulf %integer_pow3A_163, %select_n3A_135 : vector<256x128xf32>
    %add3A_165 = arith.addf %add3A_161, %mul3A_164 : vector<256x128xf32>
    %slice3A_166 = vector.extract_strided_slice %add3A_165 {offsets = [0, 64], sizes = [256, 64], strides = [1, 1]} : vector<256x128xf32> to vector<256x64xf32>
    %slice3A_167 = vector.extract_strided_slice %add3A_165 {offsets = [0, 0], sizes = [256, 64], strides = [1, 1]} : vector<256x128xf32> to vector<256x64xf32>
    %concatenate3A_168 = tpu.concatenate %slice3A_166, %slice3A_167 in 1 : vector<256x64xf32>, vector<256x64xf32> -> vector<256x128xf32>
    %add3A_169 = arith.addf %add3A_165, %concatenate3A_168 : vector<256x128xf32>
    %abs3A = math.absf %dot_general3A_53 : vector<256x128xf32>
    %mul3A_170 = arith.mulf %abs3A, %select_n3A_69 : vector<256x128xf32>
    %add3A_171 = arith.constant 0.000000e+00 : f32
    %add3A_172 = vector.broadcast %add3A_171 : f32 to vector<256x128xf32>
    %add3A_173 = arith.addf %add3A_172, %mul3A_170 : vector<256x128xf32>
    %abs3A_174 = math.absf %dot_general3A_75 : vector<256x128xf32>
    %mul3A_175 = arith.mulf %abs3A_174, %select_n3A_91 : vector<256x128xf32>
    %add3A_176 = arith.addf %add3A_173, %mul3A_175 : vector<256x128xf32>
    %abs3A_177 = math.absf %dot_general3A_97 : vector<256x128xf32>
    %mul3A_178 = arith.mulf %abs3A_177, %select_n3A_113 : vector<256x128xf32>
    %add3A_179 = arith.addf %add3A_176, %mul3A_178 : vector<256x128xf32>
    %abs3A_180 = math.absf %dot_general3A_119 : vector<256x128xf32>
    %mul3A_181 = arith.mulf %abs3A_180, %select_n3A_135 : vector<256x128xf32>
    %add3A_182 = arith.addf %add3A_179, %mul3A_181 : vector<256x128xf32>
    %slice3A_183 = vector.extract_strided_slice %add3A_182 {offsets = [0, 64], sizes = [256, 64], strides = [1, 1]} : vector<256x128xf32> to vector<256x64xf32>
    %slice3A_184 = vector.extract_strided_slice %add3A_182 {offsets = [0, 0], sizes = [256, 64], strides = [1, 1]} : vector<256x128xf32> to vector<256x64xf32>
    %concatenate3A_185 = tpu.concatenate %slice3A_183, %slice3A_184 in 1 : vector<256x64xf32>, vector<256x64xf32> -> vector<256x128xf32>
    %add3A_186 = arith.addf %add3A_182, %concatenate3A_185 : vector<256x128xf32>
    %mul3A_187 = arith.mulf %add3A_169, %div3A_47 : vector<256x128xf32>
    %slice3A_188 = vector.extract_strided_slice %mul3A_187 {offsets = [0, 0], sizes = [256, 64], strides = [1, 1]} : vector<256x128xf32> to vector<256x64xf32>
    %eq3A_189 = arith.constant 1.000000e+00 : f32
    %eq3A_190 = vector.broadcast %eq3A_189 : f32 to vector<256x128xf32>
    %eq3A_191 = arith.cmpf oeq, %select_n3A, %eq3A_190 : vector<256x128xf32>
    %slice3A_192 = vector.extract_strided_slice %eq3A_191 {offsets = [0, 0], sizes = [256, 64], strides = [1, 1]} : vector<256x128xi1> to vector<256x64xi1>
    %max3A_193 = arith.constant 0.000000e+00 : f32
    %max3A_194 = vector.broadcast %max3A_193 : f32 to vector<256x64xf32>
    %max3A_195 = arith.maximumf %slice3A_188, %max3A_194 : vector<256x64xf32>
    %jit3A_196 = arith.constant 1.000000e+00 : f32
    %broadcast_in_dim3A_197 = vector.broadcast %jit3A_196 : f32 to vector<256x64xf32>
    %select_n3A_198 = arith.select %slice3A_192, %broadcast_in_dim3A_197, %max3A_195 : vector<256x64xi1>, vector<256x64xf32>
    %sqrt3A = math.sqrt %select_n3A_198 : vector<256x64xf32>
    %mul3A_199 = arith.mulf %add3A_186, %div3A_39 : vector<256x128xf32>
    %slice3A_200 = vector.extract_strided_slice %mul3A_199 {offsets = [0, 0], sizes = [256, 64], strides = [1, 1]} : vector<256x128xf32> to vector<256x64xf32>
    %jit3A_201 = arith.constant 0.000000e+00 : f32
    %broadcast_in_dim3A_202 = vector.broadcast %jit3A_201 : f32 to vector<256x64xf32>
    %select_n3A_203 = arith.select %slice3A_192, %broadcast_in_dim3A_202, %sqrt3A : vector<256x64xi1>, vector<256x64xf32>
    %swap3A = arith.constant 0 : index
    %swap3A_204 = arith.constant 0 : index
    %swap3A_205 = vector.load %arg21[%swap3A, %swap3A_204] : memref<256x64xf32, #tpu.memory_space<vmem>>, vector<256x64xf32>
    tpu.vector_store %arg21[%swap3A, %swap3A_204], %select_n3A_203 {strides = array<i32>} : memref<256x64xf32, #tpu.memory_space<vmem>>, vector<256x64xf32>,
    %add3A_206 = arith.constant 9.99999997E-7 : f32
    %add3A_207 = vector.broadcast %add3A_206 : f32 to vector<256x64xf32>
    %add3A_208 = arith.addf %slice3A_200, %add3A_207 : vector<256x64xf32>
    %div3A_209 = arith.divf %sqrt3A, %add3A_208 : vector<256x64xf32>
    %jit3A_210 = arith.constant 0.000000e+00 : f32
    %broadcast_in_dim3A_211 = vector.broadcast %jit3A_210 : f32 to vector<256x64xf32>
    %select_n3A_212 = arith.select %slice3A_192, %broadcast_in_dim3A_211, %div3A_209 : vector<256x64xi1>, vector<256x64xf32>
    %swap3A_213 = arith.constant 0 : index
    %swap3A_214 = arith.constant 0 : index
    %swap3A_215 = vector.load %arg22[%swap3A_213, %swap3A_214] : memref<256x64xf32, #tpu.memory_space<vmem>>, vector<256x64xf32>
    tpu.vector_store %arg22[%swap3A_213, %swap3A_214], %select_n3A_212 {strides = array<i32>} : memref<256x64xf32, #tpu.memory_space<vmem>>, vector<256x64xf32>,
    %sub3A_216 = arith.subf %dot_general3A_53, %dot_general3A_14 : vector<256x128xf32>
    %add3A_217 = arith.addf %sub3A_216, %add3A_65 : vector<256x128xf32>
    %get3A_218 = arith.constant 0 : index
    %get3A_219 = arith.constant 0 : index
    %get3A_220 = vector.load %arg12[%get3A_218, %get3A_219] : memref<128x16xf32, #tpu.memory_space<vmem>>, vector<128x16xf32>
    %dot_general3A_221 = arith.constant dense<0.000000e+00> : vector<256x16xf32>
    %dot_general3A_222 = tpu.matmul %add3A_217, %get3A_220, %dot_general3A_221 {dimension_numbers = #tpu.dot_dimension_numbers<[1], [0], [0], [1], [0, 0, 1, 1], [], []>, transpose_lhs_hint = false} : vector<256x128xf32>, vector<128x16xf32>, vector<256x16xf32> -> vector<256x16xf32>
    %get3A_223 = arith.constant 0 : index
    %get3A_224 = arith.constant 0 : index
    %get3A_225 = vector.load %arg13[%get3A_223, %get3A_224] : memref<1x16xf32, #tpu.memory_space<vmem>>, vector<1x16xf32>
    %add3A_226 = vector.broadcast %get3A_225 : vector<1x16xf32> to vector<256x16xf32>
    %add3A_227 = arith.addf %dot_general3A_222, %add3A_226 : vector<256x16xf32>
    %max3A_228 = arith.constant 0.000000e+00 : f32
    %max3A_229 = vector.broadcast %max3A_228 : f32 to vector<256x16xf32>
    %max3A_230 = arith.maximumf %add3A_227, %max3A_229 : vector<256x16xf32>
    %get3A_231 = arith.constant 0 : index
    %get3A_232 = arith.constant 0 : index
    %get3A_233 = vector.load %arg14[%get3A_231, %get3A_232] : memref<16x128xf32, #tpu.memory_space<vmem>>, vector<16x128xf32>
    %dot_general3A_234 = arith.constant dense<0.000000e+00> : vector<256x128xf32>
    %dot_general3A_235 = tpu.matmul %max3A_230, %get3A_233, %dot_general3A_234 {dimension_numbers = #tpu.dot_dimension_numbers<[1], [0], [0], [1], [0, 0, 1, 1], [], []>, transpose_lhs_hint = false} : vector<256x16xf32>, vector<16x128xf32>, vector<256x128xf32> -> vector<256x128xf32>
    %get3A_236 = arith.constant 0 : index
    %get3A_237 = arith.constant 0 : index
    %get3A_238 = vector.load %arg15[%get3A_236, %get3A_237] : memref<1x128xf32, #tpu.memory_space<vmem>>, vector<1x128xf32>
    %add3A_239 = vector.broadcast %get3A_238 : vector<1x128xf32> to vector<256x128xf32>
    %add3A_240 = arith.addf %dot_general3A_235, %add3A_239 : vector<256x128xf32>
    %sub3A_241 = arith.subf %dot_general3A_75, %dot_general3A_14 : vector<256x128xf32>
    %add3A_242 = arith.addf %sub3A_241, %add3A_87 : vector<256x128xf32>
    %get3A_243 = arith.constant 0 : index
    %get3A_244 = arith.constant 0 : index
    %get3A_245 = vector.load %arg12[%get3A_243, %get3A_244] : memref<128x16xf32, #tpu.memory_space<vmem>>, vector<128x16xf32>
    %dot_general3A_246 = arith.constant dense<0.000000e+00> : vector<256x16xf32>
    %dot_general3A_247 = tpu.matmul %add3A_242, %get3A_245, %dot_general3A_246 {dimension_numbers = #tpu.dot_dimension_numbers<[1], [0], [0], [1], [0, 0, 1, 1], [], []>, transpose_lhs_hint = false} : vector<256x128xf32>, vector<128x16xf32>, vector<256x16xf32> -> vector<256x16xf32>
    %get3A_248 = arith.constant 0 : index
    %get3A_249 = arith.constant 0 : index
    %get3A_250 = vector.load %arg13[%get3A_248, %get3A_249] : memref<1x16xf32, #tpu.memory_space<vmem>>, vector<1x16xf32>
    %add3A_251 = vector.broadcast %get3A_250 : vector<1x16xf32> to vector<256x16xf32>
    %add3A_252 = arith.addf %dot_general3A_247, %add3A_251 : vector<256x16xf32>
    %max3A_253 = arith.constant 0.000000e+00 : f32
    %max3A_254 = vector.broadcast %max3A_253 : f32 to vector<256x16xf32>
    %max3A_255 = arith.maximumf %add3A_252, %max3A_254 : vector<256x16xf32>
    %get3A_256 = arith.constant 0 : index
    %get3A_257 = arith.constant 0 : index
    %get3A_258 = vector.load %arg14[%get3A_256, %get3A_257] : memref<16x128xf32, #tpu.memory_space<vmem>>, vector<16x128xf32>
    %dot_general3A_259 = arith.constant dense<0.000000e+00> : vector<256x128xf32>
    %dot_general3A_260 = tpu.matmul %max3A_255, %get3A_258, %dot_general3A_259 {dimension_numbers = #tpu.dot_dimension_numbers<[1], [0], [0], [1], [0, 0, 1, 1], [], []>, transpose_lhs_hint = false} : vector<256x16xf32>, vector<16x128xf32>, vector<256x128xf32> -> vector<256x128xf32>
    %get3A_261 = arith.constant 0 : index
    %get3A_262 = arith.constant 0 : index
    %get3A_263 = vector.load %arg15[%get3A_261, %get3A_262] : memref<1x128xf32, #tpu.memory_space<vmem>>, vector<1x128xf32>
    %add3A_264 = vector.broadcast %get3A_263 : vector<1x128xf32> to vector<256x128xf32>
    %add3A_265 = arith.addf %dot_general3A_260, %add3A_264 : vector<256x128xf32>
    %sub3A_266 = arith.subf %dot_general3A_97, %dot_general3A_14 : vector<256x128xf32>
    %add3A_267 = arith.addf %sub3A_266, %add3A_109 : vector<256x128xf32>
    %get3A_268 = arith.constant 0 : index
    %get3A_269 = arith.constant 0 : index
    %get3A_270 = vector.load %arg12[%get3A_268, %get3A_269] : memref<128x16xf32, #tpu.memory_space<vmem>>, vector<128x16xf32>
    %dot_general3A_271 = arith.constant dense<0.000000e+00> : vector<256x16xf32>
    %dot_general3A_272 = tpu.matmul %add3A_267, %get3A_270, %dot_general3A_271 {dimension_numbers = #tpu.dot_dimension_numbers<[1], [0], [0], [1], [0, 0, 1, 1], [], []>, transpose_lhs_hint = false} : vector<256x128xf32>, vector<128x16xf32>, vector<256x16xf32> -> vector<256x16xf32>
    %get3A_273 = arith.constant 0 : index
    %get3A_274 = arith.constant 0 : index
    %get3A_275 = vector.load %arg13[%get3A_273, %get3A_274] : memref<1x16xf32, #tpu.memory_space<vmem>>, vector<1x16xf32>
    %add3A_276 = vector.broadcast %get3A_275 : vector<1x16xf32> to vector<256x16xf32>
    %add3A_277 = arith.addf %dot_general3A_272, %add3A_276 : vector<256x16xf32>
    %max3A_278 = arith.constant 0.000000e+00 : f32
    %max3A_279 = vector.broadcast %max3A_278 : f32 to vector<256x16xf32>
    %max3A_280 = arith.maximumf %add3A_277, %max3A_279 : vector<256x16xf32>
    %get3A_281 = arith.constant 0 : index
    %get3A_282 = arith.constant 0 : index
    %get3A_283 = vector.load %arg14[%get3A_281, %get3A_282] : memref<16x128xf32, #tpu.memory_space<vmem>>, vector<16x128xf32>
    %dot_general3A_284 = arith.constant dense<0.000000e+00> : vector<256x128xf32>
    %dot_general3A_285 = tpu.matmul %max3A_280, %get3A_283, %dot_general3A_284 {dimension_numbers = #tpu.dot_dimension_numbers<[1], [0], [0], [1], [0, 0, 1, 1], [], []>, transpose_lhs_hint = false} : vector<256x16xf32>, vector<16x128xf32>, vector<256x128xf32> -> vector<256x128xf32>
    %get3A_286 = arith.constant 0 : index
    %get3A_287 = arith.constant 0 : index
    %get3A_288 = vector.load %arg15[%get3A_286, %get3A_287] : memref<1x128xf32, #tpu.memory_space<vmem>>, vector<1x128xf32>
    %add3A_289 = vector.broadcast %get3A_288 : vector<1x128xf32> to vector<256x128xf32>
    %add3A_290 = arith.addf %dot_general3A_285, %add3A_289 : vector<256x128xf32>
    %sub3A_291 = arith.subf %dot_general3A_119, %dot_general3A_14 : vector<256x128xf32>
    %add3A_292 = arith.addf %sub3A_291, %add3A_131 : vector<256x128xf32>
    %get3A_293 = arith.constant 0 : index
    %get3A_294 = arith.constant 0 : index
    %get3A_295 = vector.load %arg12[%get3A_293, %get3A_294] : memref<128x16xf32, #tpu.memory_space<vmem>>, vector<128x16xf32>
    %dot_general3A_296 = arith.constant dense<0.000000e+00> : vector<256x16xf32>
    %dot_general3A_297 = tpu.matmul %add3A_292, %get3A_295, %dot_general3A_296 {dimension_numbers = #tpu.dot_dimension_numbers<[1], [0], [0], [1], [0, 0, 1, 1], [], []>, transpose_lhs_hint = false} : vector<256x128xf32>, vector<128x16xf32>, vector<256x16xf32> -> vector<256x16xf32>
    %get3A_298 = arith.constant 0 : index
    %get3A_299 = arith.constant 0 : index
    %get3A_300 = vector.load %arg13[%get3A_298, %get3A_299] : memref<1x16xf32, #tpu.memory_space<vmem>>, vector<1x16xf32>
    %add3A_301 = vector.broadcast %get3A_300 : vector<1x16xf32> to vector<256x16xf32>
    %add3A_302 = arith.addf %dot_general3A_297, %add3A_301 : vector<256x16xf32>
    %max3A_303 = arith.constant 0.000000e+00 : f32
    %max3A_304 = vector.broadcast %max3A_303 : f32 to vector<256x16xf32>
    %max3A_305 = arith.maximumf %add3A_302, %max3A_304 : vector<256x16xf32>
    %get3A_306 = arith.constant 0 : index
    %get3A_307 = arith.constant 0 : index
    %get3A_308 = vector.load %arg14[%get3A_306, %get3A_307] : memref<16x128xf32, #tpu.memory_space<vmem>>, vector<16x128xf32>
    %dot_general3A_309 = arith.constant dense<0.000000e+00> : vector<256x128xf32>
    %dot_general3A_310 = tpu.matmul %max3A_305, %get3A_308, %dot_general3A_309 {dimension_numbers = #tpu.dot_dimension_numbers<[1], [0], [0], [1], [0, 0, 1, 1], [], []>, transpose_lhs_hint = false} : vector<256x16xf32>, vector<16x128xf32>, vector<256x128xf32> -> vector<256x128xf32>
    %get3A_311 = arith.constant 0 : index
    %get3A_312 = arith.constant 0 : index
    %get3A_313 = vector.load %arg15[%get3A_311, %get3A_312] : memref<1x128xf32, #tpu.memory_space<vmem>>, vector<1x128xf32>
    %add3A_314 = vector.broadcast %get3A_313 : vector<1x128xf32> to vector<256x128xf32>
    %add3A_315 = arith.addf %dot_general3A_310, %add3A_314 : vector<256x128xf32>
    %eq3A_316 = arith.constant 0.000000e+00 : f32
    %eq3A_317 = vector.broadcast %eq3A_316 : f32 to vector<256x128xf32>
    %eq3A_318 = arith.cmpf oeq, %select_n3A_69, %eq3A_317 : vector<256x128xf32>
    %jit3A_319 = arith.constant 0xFF800000 : f32
    %broadcast_in_dim3A_320 = vector.broadcast %jit3A_319 : f32 to vector<256x128xf32>
    %select_n3A_321 = arith.select %eq3A_318, %broadcast_in_dim3A_320, %add3A_240 : vector<256x128xi1>, vector<256x128xf32>
    %eq3A_322 = arith.constant 0.000000e+00 : f32
    %eq3A_323 = vector.broadcast %eq3A_322 : f32 to vector<256x128xf32>
    %eq3A_324 = arith.cmpf oeq, %select_n3A_91, %eq3A_323 : vector<256x128xf32>
    %jit3A_325 = arith.constant 0xFF800000 : f32
    %broadcast_in_dim3A_326 = vector.broadcast %jit3A_325 : f32 to vector<256x128xf32>
    %select_n3A_327 = arith.select %eq3A_324, %broadcast_in_dim3A_326, %add3A_265 : vector<256x128xi1>, vector<256x128xf32>
    %max3A_328 = arith.maximumf %select_n3A_321, %select_n3A_327 : vector<256x128xf32>
    %eq3A_329 = arith.constant 0.000000e+00 : f32
    %eq3A_330 = vector.broadcast %eq3A_329 : f32 to vector<256x128xf32>
    %eq3A_331 = arith.cmpf oeq, %select_n3A_113, %eq3A_330 : vector<256x128xf32>
    %jit3A_332 = arith.constant 0xFF800000 : f32
    %broadcast_in_dim3A_333 = vector.broadcast %jit3A_332 : f32 to vector<256x128xf32>
    %select_n3A_334 = arith.select %eq3A_331, %broadcast_in_dim3A_333, %add3A_290 : vector<256x128xi1>, vector<256x128xf32>
    %max3A_335 = arith.maximumf %max3A_328, %select_n3A_334 : vector<256x128xf32>
    %eq3A_336 = arith.constant 0.000000e+00 : f32
    %eq3A_337 = vector.broadcast %eq3A_336 : f32 to vector<256x128xf32>
    %eq3A_338 = arith.cmpf oeq, %select_n3A_135, %eq3A_337 : vector<256x128xf32>
    %jit3A_339 = arith.constant 0xFF800000 : f32
    %broadcast_in_dim3A_340 = vector.broadcast %jit3A_339 : f32 to vector<256x128xf32>
    %select_n3A_341 = arith.select %eq3A_338, %broadcast_in_dim3A_340, %add3A_315 : vector<256x128xi1>, vector<256x128xf32>
    %max3A_342 = arith.maximumf %max3A_335, %select_n3A_341 : vector<256x128xf32>
    %slice3A_343 = vector.extract_strided_slice %max3A_342 {offsets = [0, 64], sizes = [256, 64], strides = [1, 1]} : vector<256x128xf32> to vector<256x64xf32>
    %slice3A_344 = vector.extract_strided_slice %max3A_342 {offsets = [0, 0], sizes = [256, 64], strides = [1, 1]} : vector<256x128xf32> to vector<256x64xf32>
    %concatenate3A_345 = tpu.concatenate %slice3A_343, %slice3A_344 in 1 : vector<256x64xf32>, vector<256x64xf32> -> vector<256x128xf32>
    %max3A_346 = arith.maximumf %max3A_342, %concatenate3A_345 : vector<256x128xf32>
    %eq3A_347 = arith.constant 0.000000e+00 : f32
    %eq3A_348 = vector.broadcast %eq3A_347 : f32 to vector<256x128xf32>
    %eq3A_349 = arith.cmpf oeq, %select_n3A_69, %eq3A_348 : vector<256x128xf32>
    %sub3A_350 = arith.subf %add3A_240, %max3A_346 : vector<256x128xf32>
    %exp3A = math.exp %sub3A_350 : vector<256x128xf32>
    %jit3A_351 = arith.constant 0.000000e+00 : f32
    %broadcast_in_dim3A_352 = vector.broadcast %jit3A_351 : f32 to vector<256x128xf32>
    %select_n3A_353 = arith.select %eq3A_349, %broadcast_in_dim3A_352, %exp3A : vector<256x128xi1>, vector<256x128xf32>
    %eq3A_354 = arith.constant 0.000000e+00 : f32
    %eq3A_355 = vector.broadcast %eq3A_354 : f32 to vector<256x128xf32>
    %eq3A_356 = arith.cmpf oeq, %select_n3A_91, %eq3A_355 : vector<256x128xf32>
    %sub3A_357 = arith.subf %add3A_265, %max3A_346 : vector<256x128xf32>
    %exp3A_358 = math.exp %sub3A_357 : vector<256x128xf32>
    %jit3A_359 = arith.constant 0.000000e+00 : f32
    %broadcast_in_dim3A_360 = vector.broadcast %jit3A_359 : f32 to vector<256x128xf32>
    %select_n3A_361 = arith.select %eq3A_356, %broadcast_in_dim3A_360, %exp3A_358 : vector<256x128xi1>, vector<256x128xf32>
    %eq3A_362 = arith.constant 0.000000e+00 : f32
    %eq3A_363 = vector.broadcast %eq3A_362 : f32 to vector<256x128xf32>
    %eq3A_364 = arith.cmpf oeq, %select_n3A_113, %eq3A_363 : vector<256x128xf32>
    %sub3A_365 = arith.subf %add3A_290, %max3A_346 : vector<256x128xf32>
    %exp3A_366 = math.exp %sub3A_365 : vector<256x128xf32>
    %jit3A_367 = arith.constant 0.000000e+00 : f32
    %broadcast_in_dim3A_368 = vector.broadcast %jit3A_367 : f32 to vector<256x128xf32>
    %select_n3A_369 = arith.select %eq3A_364, %broadcast_in_dim3A_368, %exp3A_366 : vector<256x128xi1>, vector<256x128xf32>
    %eq3A_370 = arith.constant 0.000000e+00 : f32
    %eq3A_371 = vector.broadcast %eq3A_370 : f32 to vector<256x128xf32>
    %eq3A_372 = arith.cmpf oeq, %select_n3A_135, %eq3A_371 : vector<256x128xf32>
    %sub3A_373 = arith.subf %add3A_315, %max3A_346 : vector<256x128xf32>
    %exp3A_374 = math.exp %sub3A_373 : vector<256x128xf32>
    %jit3A_375 = arith.constant 0.000000e+00 : f32
    %broadcast_in_dim3A_376 = vector.broadcast %jit3A_375 : f32 to vector<256x128xf32>
    %select_n3A_377 = arith.select %eq3A_372, %broadcast_in_dim3A_376, %exp3A_374 : vector<256x128xi1>, vector<256x128xf32>
    %add3A_378 = arith.constant 0.000000e+00 : f32
    %add3A_379 = vector.broadcast %add3A_378 : f32 to vector<256x128xf32>
    %add3A_380 = arith.addf %add3A_379, %select_n3A_353 : vector<256x128xf32>
    %add3A_381 = arith.addf %add3A_380, %select_n3A_361 : vector<256x128xf32>
    %add3A_382 = arith.addf %add3A_381, %select_n3A_369 : vector<256x128xf32>
    %add3A_383 = arith.addf %add3A_382, %select_n3A_377 : vector<256x128xf32>
    %slice3A_384 = vector.extract_strided_slice %add3A_383 {offsets = [0, 64], sizes = [256, 64], strides = [1, 1]} : vector<256x128xf32> to vector<256x64xf32>
    %slice3A_385 = vector.extract_strided_slice %add3A_383 {offsets = [0, 0], sizes = [256, 64], strides = [1, 1]} : vector<256x128xf32> to vector<256x64xf32>
    %concatenate3A_386 = tpu.concatenate %slice3A_384, %slice3A_385 in 1 : vector<256x64xf32>, vector<256x64xf32> -> vector<256x128xf32>
    %add3A_387 = arith.addf %add3A_383, %concatenate3A_386 : vector<256x128xf32>
    %div3A_388 = arith.constant 1.000000e+00 : f32
    %div3A_389 = vector.broadcast %div3A_388 : f32 to vector<256x128xf32>
    %div3A_390 = arith.divf %div3A_389, %add3A_387 : vector<256x128xf32>
    %broadcast_in_dim3A_391 = arith.constant 0.000000e+00 : f32
    %broadcast_in_dim3A_392 = vector.broadcast %broadcast_in_dim3A_391 : f32 to vector<256x128xf32>
    %mul3A_393 = arith.mulf %select_n3A_353, %div3A_390 : vector<256x128xf32>
    %swap3A_394 = arith.constant 0 : index
    %swap3A_395 = arith.constant 0 : index
    %swap3A_396 = vector.load %arg20[%swap3A_394, %swap3A_395] : memref<256x512xf32, #tpu.memory_space<vmem>>, vector<256x128xf32>
    tpu.vector_store %arg20[%swap3A_394, %swap3A_395], %mul3A_393 {strides = array<i32>} : memref<256x512xf32, #tpu.memory_space<vmem>>, vector<256x128xf32>,
    %add3A_397 = arith.addf %dot_general3A_59, %add3A_65 : vector<256x128xf32>
    %mul3A_398 = arith.mulf %add3A_397, %mul3A_393 : vector<256x128xf32>
    %add3A_399 = arith.addf %broadcast_in_dim3A_392, %mul3A_398 : vector<256x128xf32>
    %mul3A_400 = arith.mulf %select_n3A_361, %div3A_390 : vector<256x128xf32>
    %swap3A_401 = arith.constant 0 : index
    %swap3A_402 = arith.constant 128 : index
    %swap3A_403 = vector.load %arg20[%swap3A_401, %swap3A_402] : memref<256x512xf32, #tpu.memory_space<vmem>>, vector<256x128xf32>
    tpu.vector_store %arg20[%swap3A_401, %swap3A_402], %mul3A_400 {strides = array<i32>} : memref<256x512xf32, #tpu.memory_space<vmem>>, vector<256x128xf32>,
    %add3A_404 = arith.addf %dot_general3A_81, %add3A_87 : vector<256x128xf32>
    %mul3A_405 = arith.mulf %add3A_404, %mul3A_400 : vector<256x128xf32>
    %add3A_406 = arith.addf %add3A_399, %mul3A_405 : vector<256x128xf32>
    %mul3A_407 = arith.mulf %select_n3A_369, %div3A_390 : vector<256x128xf32>
    %swap3A_408 = arith.constant 0 : index
    %swap3A_409 = arith.constant 256 : index
    %swap3A_410 = vector.load %arg20[%swap3A_408, %swap3A_409] : memref<256x512xf32, #tpu.memory_space<vmem>>, vector<256x128xf32>
    tpu.vector_store %arg20[%swap3A_408, %swap3A_409], %mul3A_407 {strides = array<i32>} : memref<256x512xf32, #tpu.memory_space<vmem>>, vector<256x128xf32>,
    %add3A_411 = arith.addf %dot_general3A_103, %add3A_109 : vector<256x128xf32>
    %mul3A_412 = arith.mulf %add3A_411, %mul3A_407 : vector<256x128xf32>
    %add3A_413 = arith.addf %add3A_406, %mul3A_412 : vector<256x128xf32>
    %mul3A_414 = arith.mulf %select_n3A_377, %div3A_390 : vector<256x128xf32>
    %swap3A_415 = arith.constant 0 : index
    %swap3A_416 = arith.constant 384 : index
    %swap3A_417 = vector.load %arg20[%swap3A_415, %swap3A_416] : memref<256x512xf32, #tpu.memory_space<vmem>>, vector<256x128xf32>
    tpu.vector_store %arg20[%swap3A_415, %swap3A_416], %mul3A_414 {strides = array<i32>} : memref<256x512xf32, #tpu.memory_space<vmem>>, vector<256x128xf32>,
    %add3A_418 = arith.addf %dot_general3A_125, %add3A_131 : vector<256x128xf32>
    %mul3A_419 = arith.mulf %add3A_418, %mul3A_414 : vector<256x128xf32>
    %add3A_420 = arith.addf %add3A_413, %mul3A_419 : vector<256x128xf32>
    %get3A_421 = arith.constant 0 : index
    %get3A_422 = arith.constant 0 : index
    %get3A_423 = vector.load %arg16[%get3A_421, %get3A_422] : memref<128x64xf32, #tpu.memory_space<vmem>>, vector<128x64xf32>
    %dot_general3A_424 = arith.constant dense<0.000000e+00> : vector<256x64xf32>
    %dot_general3A_425 = tpu.matmul %add3A_420, %get3A_423, %dot_general3A_424 {dimension_numbers = #tpu.dot_dimension_numbers<[1], [0], [0], [1], [0, 0, 1, 1], [], []>, transpose_lhs_hint = false} : vector<256x128xf32>, vector<128x64xf32>, vector<256x64xf32> -> vector<256x64xf32>
    %get3A_426 = arith.constant 0 : index
    %get3A_427 = arith.constant 0 : index
    %get3A_428 = vector.load %arg17[%get3A_426, %get3A_427] : memref<1x64xf32, #tpu.memory_space<vmem>>, vector<1x64xf32>
    %add3A_429 = vector.broadcast %get3A_428 : vector<1x64xf32> to vector<256x64xf32>
    %add3A_430 = arith.addf %dot_general3A_425, %add3A_429 : vector<256x64xf32>
    %swap3A_431 = arith.constant 0 : index
    %swap3A_432 = arith.constant 0 : index
    %swap3A_433 = vector.load %arg19[%swap3A_431, %swap3A_432] : memref<256x64xf32, #tpu.memory_space<vmem>>, vector<256x64xf32>
    tpu.vector_store %arg19[%swap3A_431, %swap3A_432], %add3A_430 {strides = array<i32>} : memref<256x64xf32, #tpu.memory_space<vmem>>, vector<256x64xf32>,
    return
  }
  func.func @transform_0(%arg0: i32) -> (i32, i32) {
    %c0_i32 = arith.constant 0 : i32
    %c0_i32_0 = arith.constant 0 : i32
    return %arg0, %c0_i32 : i32, i32
  }
  func.func @transform_1(%arg0: i32) -> (i32, i32) {
    %c0_i32 = arith.constant 0 : i32
    %c0_i32_0 = arith.constant 0 : i32
    return %arg0, %c0_i32 : i32, i32
  }
  func.func @transform_2(%arg0: i32) -> (i32, i32) {
    %c0_i32 = arith.constant 0 : i32
    %c0_i32_0 = arith.constant 0 : i32
    return %arg0, %c0_i32 : i32, i32
  }
  func.func @transform_3(%arg0: i32) -> (i32, i32) {
    %c0_i32 = arith.constant 0 : i32
    %c0_i32_0 = arith.constant 0 : i32
    return %arg0, %c0_i32 : i32, i32
  }
  func.func @transform_4(%arg0: i32) -> (i32, i32) {
    %c0_i32 = arith.constant 0 : i32
    %c0_i32_0 = arith.constant 0 : i32
    %c0_i32_1 = arith.constant 0 : i32
    return %c0_i32, %c0_i32_0 : i32, i32
  }
  func.func @transform_5(%arg0: i32) -> (i32, i32) {
    %c0_i32 = arith.constant 0 : i32
    %c0_i32_0 = arith.constant 0 : i32
    %c0_i32_1 = arith.constant 0 : i32
    return %c0_i32, %c0_i32_0 : i32, i32
  }
  func.func @transform_6(%arg0: i32) -> (i32, i32) {
    %c0_i32 = arith.constant 0 : i32
    %c0_i32_0 = arith.constant 0 : i32
    %c0_i32_1 = arith.constant 0 : i32
    return %c0_i32, %c0_i32_0 : i32, i32
  }
  func.func @transform_7(%arg0: i32) -> (i32, i32) {
    %c0_i32 = arith.constant 0 : i32
    %c0_i32_0 = arith.constant 0 : i32
    %c0_i32_1 = arith.constant 0 : i32
    return %c0_i32, %c0_i32_0 : i32, i32
  }
  func.func @transform_8(%arg0: i32) -> (i32, i32) {
    %c0_i32 = arith.constant 0 : i32
    %c0_i32_0 = arith.constant 0 : i32
    %c0_i32_1 = arith.constant 0 : i32
    return %c0_i32, %c0_i32_0 : i32, i32
  }
  func.func @transform_9(%arg0: i32) -> (i32, i32) {
    %c0_i32 = arith.constant 0 : i32
    %c0_i32_0 = arith.constant 0 : i32
    %c0_i32_1 = arith.constant 0 : i32
    return %c0_i32, %c0_i32_0 : i32, i32
  }
  func.func @transform_10(%arg0: i32) -> (i32, i32) {
    %c0_i32 = arith.constant 0 : i32
    %c0_i32_0 = arith.constant 0 : i32
    %c0_i32_1 = arith.constant 0 : i32
    return %c0_i32, %c0_i32_0 : i32, i32
  }
  func.func @transform_11(%arg0: i32) -> (i32, i32) {
    %c0_i32 = arith.constant 0 : i32
    %c0_i32_0 = arith.constant 0 : i32
    %c0_i32_1 = arith.constant 0 : i32
    return %c0_i32, %c0_i32_0 : i32, i32
  }
  func.func @transform_12(%arg0: i32) -> (i32, i32) {
    %c0_i32 = arith.constant 0 : i32
    %c0_i32_0 = arith.constant 0 : i32
    %c0_i32_1 = arith.constant 0 : i32
    return %c0_i32, %c0_i32_0 : i32, i32
  }
  func.func @transform_13(%arg0: i32) -> (i32, i32) {
    %c0_i32 = arith.constant 0 : i32
    %c0_i32_0 = arith.constant 0 : i32
    %c0_i32_1 = arith.constant 0 : i32
    return %c0_i32, %c0_i32_0 : i32, i32
  }
  func.func @transform_14(%arg0: i32) -> (i32, i32) {
    %c0_i32 = arith.constant 0 : i32
    %c0_i32_0 = arith.constant 0 : i32
    %c0_i32_1 = arith.constant 0 : i32
    return %c0_i32, %c0_i32_0 : i32, i32
  }
  func.func @transform_15(%arg0: i32) -> (i32, i32) {
    %c0_i32 = arith.constant 0 : i32
    %c0_i32_0 = arith.constant 0 : i32
    %c0_i32_1 = arith.constant 0 : i32
    return %c0_i32, %c0_i32_0 : i32, i32
  }
  func.func @transform_16(%arg0: i32) -> (i32, i32) {
    %c0_i32 = arith.constant 0 : i32
    %c0_i32_0 = arith.constant 0 : i32
    %c0_i32_1 = arith.constant 0 : i32
    return %c0_i32, %c0_i32_0 : i32, i32
  }
  func.func @transform_17(%arg0: i32) -> (i32, i32) {
    %c0_i32 = arith.constant 0 : i32
    %c0_i32_0 = arith.constant 0 : i32
    %c0_i32_1 = arith.constant 0 : i32
    return %c0_i32, %c0_i32_0 : i32, i32
  }
  func.func @transform_18(%arg0: i32) -> (i32, i32) {
    %c0_i32 = arith.constant 0 : i32
    %c0_i32_0 = arith.constant 0 : i32
    return %arg0, %c0_i32 : i32, i32
  }
  func.func @transform_19(%arg0: i32) -> (i32, i32) {
    %c0_i32 = arith.constant 0 : i32
    %c0_i32_0 = arith.constant 0 : i32
    return %arg0, %c0_i32 : i32, i32
  }
  func.func @transform_20(%arg0: i32) -> (i32, i32) {
    %c0_i32 = arith.constant 0 : i32
    %c0_i32_0 = arith.constant 0 : i32
    return %arg0, %c0_i32 : i32, i32
  }
  func.func @transform_21(%arg0: i32) -> (i32, i32) {
    %c0_i32 = arith.constant 0 : i32
    %c0_i32_0 = arith.constant 0 : i32
    return %arg0, %c0_i32 : i32, i32
  }
}

</mosaic_0001>

<sc_bundles>
// kernel: sparse-core-data-format-call.cloned.1.call-start
scs
called_computation_lowered:
.L_overlay_start_0:
0x0: {  	s2 =	sld [smem:$0x3FD9]  }
0x1: {  	s3 =	sld [smem:$0x3FFE];
	_ =	sdelay $0x1  }
0x2: {  	s1 =	srdreg.scid  }
0x3: {  	s0 =	sand.u32 $0x1, s1  }
0x4: {  	s15 =	sshll.u32 s0, $0xA;
	s2 =	sadd.s32 s3, s2  }
0x5: {  	s2 =	sadd.s32 s2, s15  }
0x6: {  	[smem:$0x3FB7] =	sst s2  }
0x7: {  	_ = 	snop  }
0x8: {  	s2 =	sld [smem:$0x3FD0];
	_ =	sdelay $0x2  }
0x9: {  	s16 =	simm.s32 $0xA;
	s4 =	simm.s32 $0x10  }
0xa: {  	[smem:s4], [sflag:s16] =	dma.local [hbm:s2], $0x1  }
0xb: {  	_ =	swait.eq [sflag:s16], $0x1  }
0xc: {  	[sflag:s16] =	ssyncset.done $0x0  }
0xd: {  	[sflag:s16] =	ssyncadd.s32 $0xFFFFFFFF  }
0xe: {  	s17 =	sld [smem:$0x11];
	(tm) =	ssettm $0x1  }
0xf: {  	s18 =	sld [smem:$0x3FFB];
	_ =	sdelay $0x3  }
0x10: {  	_ =	strace s18  }
0x11: {  	s3 =	sld [smem:$0x3FFC];
	_ =	sdelay $0x3  }
0x12: {  	_ =	strace s3  }
0x13: {  	s3 =	sld [smem:$0x3FFD];
	_ =	sdelay $0x3  }
0x14: {  	_ =	strace s3  }
0x15: {  	_ =	strace $0x8FFFFFFF  }
0x16: {  	s19 =	sld [smem:$0x3FDB];
	_ =	sdelay $0x1  }
0x17: {  	s20 =	simm.s32 $_scs_section_size  }
0x18: {  	s5 =	simm.s32 $_size__tile_overlayer_lowered;
	s6 =	simm.s32 $_tile_overlayer_lowered  }
0x19: {  	s23 =	simm.s32 $0x1BFF;
	s22 =	sshll.u32 s6, $0x1;
	s3 =	sadd.s32 s20, s19  }
0x1a: {  	s7 =	simm.s32 $0x0;
	s21 =	sshll.u32 s5, $0x1;
	s5 =	sadd.s32 s22, s3  }
0x1b: {  	[timem:s7], [sflag:s23] =	dma.local [hbm:s5], s21  }
0x1c: {  	_ =	swait.ge [sflag:s23], s21  }
0x1d: {  	s4 =	ssub.s32 $0x0, s21;
	[sflag:s23] =	ssyncset.done $0x0  }
0x1e: {  	[sflag:s23] =	ssyncadd.s32 s4;
	_ =	sdelay $0x1  }
0x1f: {  	s24 =	simm.s32 $0x1B8B  }
0x20: {  	_ =	swait.ge [sflag:s24], $0x1  }
0x21: {  	[sflag:s24] =	ssyncset.done $0x0  }
0x22: {  	s26 =	simm.s32 $0x1B8E;
	s25 =	sld [smem:$0x3FFE];
	[sflag:s24] =	ssyncadd.s32 $0xFFFFFFFF  }
0x23: {  	s27 =	simm.s32 $execute0_lowered;
	[smem:$0x3FD2] =	sst s26  }
0x24: {  	s5 =	sshll.u32 s27, $0x1;
	_ =	strace $0x80000046;
	[dreg:$0x1] =	wrdreg $0xFFFFFFFF  }
0x25: {  	s28 =	simm.s32 $_size_execute0_lowered;
	s3 =	sadd.s32 s3, s5;
	[dreg:$0x0] =	wrdreg $0x0  }
0x26: {  	s5 =	sshll.u32 s28, $0x1;
	[dreg:$0x2] =	wrdreg s3  }
0x27: {  	[dreg:$0x3] =	wrdreg s5  }
0x28: {  	[dreg:$0x4] =	wrdreg $0xC0  }
0x29: {  	_ =	task [dreg:s7], $0x5FFFF  }
0x2a: {  	[dreg:$0x1] =	wrdreg $0xFFFFFFFF  }
0x2b: {  	[dreg:$0x0] =	wrdreg $0x60  }
0x2c: {  	[dreg:$0x2] =	wrdreg s25  }
0x2d: {  	[dreg:$0x3] =	wrdreg s17  }
0x2e: {  	[dreg:$0x4] =	wrdreg $0x9  }
0x2f: {  	_ =	task.clear_ibuf [dreg:s7], $0x5FFFF;
	_ =	strace $0x90000046  }
0x30: {  	s29 =	simm.s32 $0x9;
	_ =	strace $0x80000048  }
0x31: {  	_ =	swait.ge [sflag:s29], $0x1  }
0x32: {  	[sflag:s29] =	ssyncadd.s32 $0xFFFFFFFF  }
0x33: {  	_ =	strace $0x90000048  }
0x34: {  	_ =	sfence  }
0x35: {  	s30 =	sld [smem:$0x0];
	_ =	sdelay $0x2  }
0x36: {  	s31 =	sshll.u32 s1, $0xD;
	s1 =	sshrl.u32 s1, $0x2  }
0x37: {  	s3 =	sand.u32 $0x4000, s31;
	s1 =	sadd.s32 s1, s30  }
0x38: {  	s0 =	sor.u32 s3, s0;
	s1 =	sshll.u32 s1, $0x11  }
0x39: {  	s0 =	sor.u32 s1, s0  }
0x3a: {  	s0 =	sadd.s32 $0x8F2B, s0  }
0x3b: {  	[sflag:s0] =	ssyncadd.remote.s32 $0x1  }
0x3c: {  	_ =	sfence.sel $0xFFFF  }
0x3d: {  	[dreg:$0x0] =	wrdreg $0xFFFFFFFF;
	(pc) =	sbr.abs _section_cstart, $3  }
0x3e: {  	[dreg:$0x1] =	wrdreg $0xFFFFFFFF  }
0x3f: {  	_ =	task.clear_ibuf [dreg:s7], $0x2FFFF;
	_ =	strace $0x9FFFFFFF  }
0x40: {  	(tm) =	ssettm $0x7FFFFFFF  }
0x41: {  	_ =	shalt  }
tec
execute0_lowered:
.L_overlay_start_1:
0x0: {  	(tag) =	ssettag $0x1  }
0x1: {  	s4 =	rddreg [dreg:$0x0]  }
0x2: {  	s0 =	stileid.u32;
	s2 =	rddreg [dreg:$0x1]  }
0x3: {  	s1 =	rddreg [dreg:$0x2];
	_ =	strace $0x80000047;
	s5 =	srdreg.scid  }
0x4: {  	s31 =	simm.s32 $0x2;
	s14 =	simm.s32 $0x0;
	s9 =	simm.s32 $0x1000  }
0x5: {  	s16 =	simm.s32 $0x0;
	s15 =	simm.s32 $0x0;
	s3 =	sshll.u32 s0, $0x7  }
0x6: {  	s10 =	simm.s32 $0x0;
	s5 =	sshll.u32 s5, $0x4;
	s3 =	sand.u32 $0x180, s3  }
0x7: {  	s13 =	simm.s32 $0x0;
	s5 =	sand.u32 $0x10, s5;
	s6 =	ssub.s32 $0x200, s3  }
0x8: {  	s4 =	sadd.s32 $0x483A00, s4;
	s5 =	sor.u32 s0, s5;
	s7 =	sand.u32 $0x180, s6  }
.Ltmp0:
0x9: {  	p0 =	sne.s32 s7, $0x0;
	s7 =	simm.s32 $0x1;
	(pc) =	sbr.rel .LBB1_1-.Ltmp0, $4  }
0xa: {  	s12 =	smov.u32 s3;
	s8 =	sshrl.u32 s6, $0x9;
	s7 =	simm.s32 @!p0 $0x0  }
0xb: {  	s5 =	sshrl.u32 s5, $0x2;
	s6 =	simm.s32 $0x1;
	s7 =	sadd.s32 s7, s8  }
0xc: {  	[sflag:s6] =	ssyncpa.u1 $0x0;
	s11 =	smov.u32 s5;
	s7 =	sshll.u32 s7, $0x6  }
0xd: {  	[sflag:s31] =	ssyncpa.u1 $0x0;
	p0 =	por $0x0, $0x0;
	s8 =	sor.u32 $0x1, s7  }
.LBB1_4:
0xe: {  	s19 =	sand.u32 $0xF80, s15  }
0xf: {  	s16 =	sshll.u32 s16, $0xF;
	s20 =	sshrl.u32 s15, $0x3;
	s19 =	sadd.s32 s2, s19  }
0x10: {  	[tilespmem:s18+$0x810 ss:$0x81] =	vst.msk $0xffff, v2;
	s31 =	sand.u32 $0x7, s15;
	s20 =	sand.u32 $0xF, s20;
	s16 =	sadd.s32 s16, s19  }
0x11: {  	[tilespmem:s18+$0x1020 ss:$0x81] =	vst.msk $0xffff, v0;
	s14 =	sshll.u32 s14, $0xC;
	s15 =	sshll.u32 s31, $0x12;
	s16 =	sadd.s32 s20, s16  }
0x12: {  	[tilespmem:s18+$0x0 ss:$0x81] =	vst.msk $0xffff, v1;
	s15 =	sor.u32 $0x400, s15;
	s14 =	sadd.s32 s14, s16  }
0x13: {  	[hbm4b:s14+s15] =	stream.strided.scatter [tilespmem:s17], [sflag:$0x2], $0x2000, s9, s15, $0x20;
	[tilespmem:$0x8080] =	vst v63  }
.LBB1_5:
0x14: {  	s17 =	sadd.s32 $0x1, s10  }
0x15: {  	s14 =	sadd.s32 $0x8, s11;
	s18 =	smov.u32 s11;
	p2 =	sgt.s32 s17, $0x7  }
0x16: {  	s18 =	smov.u32 @p2 s14  }
0x17: {  	s20 =	smov.u32 s12;
	s14 =	sadd.s32 $0x200, s12;
	p3 =	sgt.s32 s18, $0x3F  }
0x18: {  	s20 =	smov.u32 @p3 s14  }
0x19: {  	s17 =	simm.s32 @p2 $0x0;
	p2 =	sgt.s32 s20, $0x1FF  }
0x1a: {  	p1 =	slt.u32 s13, $0x2;
	s20 =	smov.u32 @p2 s3;
	p2 =	sne.s32 s13, s8  }
.Ltmp1:
0x1b: {  	s19 =	simm.s32 @!p1 $0x2;
	(pc) =	sbr.rel @!p2 .LBB1_6-.Ltmp1, $4  }
0x1c: {  	s16 =	smov.u32 s11;
	s15 =	smov.u32 s12;
	_ =	swait.ge @!p1 [sflag:s19], $0x2000  }
0x1d: {  	p0 =	por !p0, !p0;
	[sflag:s19] =	ssyncset.done @!p1 $0x0;
	s18 =	smov.u32 @p3 s5  }
0x1e: {  	s14 =	smov.u32 s10;
	[sflag:s19] =	ssyncadd.s32 @!p1 $0xFFFFE000;
	s10 =	smov.u32 s17  }
0x1f: {  	s11 =	smov.u32 s18;
	s13 =	sadd.s32 $0x1, s13;
	s12 =	smov.u32 s20  }
.LBB1_1:
0x20: {  	p1 =	sge.u32 s13, s7;
	s31 =	sadd.s32 $0xFFFFFFFF, s13  }
0x21: {  	s17 =	sxor.u32 @!p1 $0xFFFFFFFF, s13;
	s18 =	sshll.u32 @!p1 s12, $0xD;
	s19 =	sshll.u32 @!p1 s11, $0x7  }
0x22: {  	s20 =	sshll.u32 @!p1 s10, $0x4;
	s17 =	sshll.u32 @!p1 s17, $0xD;
	s18 =	sadd.s32 @!p1 s4, s18  }
0x23: {  	s20 =	sand.u32 @!p1 $0x70, s20;
	s17 =	sand.u32 @!p1 $0x2000, s17;
	s18 =	sadd.s32 @!p1 s19, s18  }
0x24: {  	s19 =	simm.s32 @!p1 $0x40;
	s18 =	sadd.s32 @!p1 s20, s18;
	s20 =	simm.s32 @!p1 $0x10000  }
0x25: {  	[tilespmem:s17], [sflag:$0x1] =	stream.strided.gather @!p1 [hbm4b:s18+s19], $0x2000, s20, s19, $0x38;
	[tilespmem:$0x8080] =	vst v63  }
0x26: {  	p1 =	sge.u32 s31, s7  }
.Ltmp2:
0x27: {  	_ = 	snop;
	(pc) =	sbr.rel @p1 .LBB1_5-.Ltmp2, $1  }
0x28: {  	_ =	sdelay $0x3  }
0x29: {  	s17 =	simm.s32 $0x1  }
0x2a: {  	_ =	swait.ge [sflag:s6], $0x2000;
	s17 =	simm.s32 @!p0 $0x0  }
0x2b: {  	[sflag:s6] =	ssyncset.done $0x0;
	s18 =	sshll.u32 s17, $0xD  }
0x2c: {  	[sflag:s6] =	ssyncadd.s32 $0xFFFFE000;
	s21 =	sor.u32 $0x20, s18  }
0x2d: {  	s17 =	smul.u32 $0x8100, s17;
	v3 =	vld [tilespmem:s21+$0x10]  }
0x2e: {  	s30 =	sand.u32 $0x1, s13;
	v2 =	vld [tilespmem:s21+$0xFFFFFFF0]  }
0x2f: {  	s18 =	smul.u32 $0x8100, s30;
	s17 =	sshrl.u32 s17, $0x2;
	v0 =	vld [tilespmem:s21+$0x0]  }
0x30: {  	v1 =	vld [tilespmem:s21+$0xFFFFFFE0];
	s19 =	sor.u32 $0x4000, s17  }
0x31: {  	s31 =	sshrl.u32 s18, $0x2;
	s18 =	sadd.s32 $0x0, s19  }
0x32: {  	s20 =	simm.s32 $0x4;
	s21 =	sadd.s32 $0x40, s21;
	s17 =	sor.u32 $0x4000, s31;
	[tilespmem:s18+$0x1830 ss:$0x81] =	vst.msk $0xffff, v3  }
.LBB1_3:
0x33: {  	v3 =	vld [tilespmem:s21+$0x10];
	p1 =	sne.s32 s20, $0x1FC;
	[tilespmem:s18+$0x810 ss:$0x81] =	vst.msk $0xffff, v2;
	s22 =	smov.u32 s20;
	s20 =	sadd.s32 $0x4, s20  }
.Ltmp3:
0x34: {  	v2 =	vld [tilespmem:s21+$0xFFFFFFF0];
	[tilespmem:s18+$0x1020 ss:$0x81] =	vst.msk $0xffff, v0;
	(pc) =	sbr.rel @p1 .LBB1_3-.Ltmp3, $4  }
0x35: {  	v0 =	vld [tilespmem:s21+$0x0];
	[tilespmem:s18+$0x0 ss:$0x81] =	vst.msk $0xffff, v1  }
0x36: {  	s18 =	sshra.s32 s22, $0x2;
	v1 =	vld [tilespmem:s21+$0xFFFFFFE0]  }
0x37: {  	s18 =	sadd.s32 s18, s19  }
0x38: {  	s21 =	sadd.s32 $0x40, s21;
	[tilespmem:s18+$0x1830 ss:$0x81] =	vst.msk $0xffff, v3  }
.Ltmp4:
0x39: {  	_ = 	snop;
	(pc) =	sbr.rel .LBB1_4-.Ltmp4, $1  }
0x3a: {  	_ =	sdelay $0x3  }
.LBB1_6:
0x3b: {  	_ =	sfence.sel $0x180000  }
0x3c: {  	s2 =	simm.s32 $0x1;
	[bflag:$0x0] =	sbarrier.arrive $0xFFFF  }
0x3d: {  	s31 =	simm.s32 $0x2;
	[sflag:s2] =	ssyncpa.u1 $0x1  }
0x3e: {  	[sflag:s31] =	ssyncpa.u1 $0x1  }
0x3f: {  	p0 =	sne.s32 s0, $0x0;
	_ =	strace $0x90000047  }
0x40: {  	s0 =	sadd.s32 @!p0 $0x100000, s1;
	[bflag:$0x2] =	sbarrier.arrive $0xFFFF  }
0x41: {  	[sflag:s0] =	ssyncadd.tile.s32 @!p0 $0x1;
	_ =	shalt  }
.Lfunc_end1:
_tile_overlayer_lowered:
.L_overlay_start_2:
0x42: {  	(tag) =	ssettag $0x2  }
0x43: {  	s0 =	rddreg [dreg:$0x0];
	s2 =	stileid.u32  }
0x44: {  	s1 =	rddreg [dreg:$0x1];
	p0 =	sne.s32 s2, $0x0  }
0x45: {  	s3 =	rddreg [dreg:$0x2];
	[bflag:$0x3] =	sbarrier.arrive $0xFFFF;
	s2 =	simm.s32 @!p0 $0x1C01  }
0x46: {  	[timem:s3], [sflag:s2] =	dma.local @!p0 [hbm:s0], s1  }
0x47: {  	s0 =	simm.s32 @!p0 $0x1  }
0x48: {  	_ =	swait.ge @!p0 [sflag:s0], s1  }
0x49: {  	s1 =	ssub.s32 @!p0 $0x0, s1;
	[sflag:s0] =	ssyncset.done @!p0 $0x0  }
0x4a: {  	[sflag:s0] =	ssyncadd.s32 @!p0 s1  }
0x4b: {  	[bflag:$0x3] =	sbarrier.arrive $0xFFFF  }
0x4c: {  	_ =	shalt  }

</sc_bundles>
